<compile_context>
chip_gen: v7x
topology: tpu7x:2x2x1
jax: 0.10.2.dev20260603
libtpu: 0.0.44.dev20260713+nightly
codegen_flags: <defaults>
</compile_context>

<pallas_src>
import functools

import jax
import jax.numpy as jnp
from jax import lax
from jax.experimental import pallas as pl
from jax.experimental.pallas import tpu as pltpu
from jax.experimental.pallas import tpu_sc as plsc

VOCAB = 100000
D = 128
BATCH = 4
SEQ = 2048
TOTAL = BATCH * SEQ
L = 16
VECS = D // L

_info = plsc.get_sparse_core_info()
NC = _info.num_cores
NS = _info.num_subcores
NW = NC * NS

S_PER_W = SEQ // NW


def _sc_body(x_hbm, table_hbm, pos_hbm, out_hbm,
             idx_v, pos_v, rows_v, sem_a, sem_p, sem_g):
    wid = lax.axis_index("s") * NC + lax.axis_index("c")
    base_s = wid * S_PER_W

    idx_c = [
        pltpu.async_copy(x_hbm.at[b, pl.ds(base_s, S_PER_W)],
                         idx_v.at[b], sem_a)
        for b in range(BATCH)
    ]
    pos_c = pltpu.async_copy(pos_hbm.at[pl.ds(base_s, S_PER_W)], pos_v, sem_p)
    for c in idx_c:
        c.wait()

    for b in range(BATCH):
        pltpu.async_copy(table_hbm.at[idx_v.at[b]], rows_v.at[b], sem_g)
    pos_c.wait()

    def do_chunk(b):
        pltpu.make_async_copy(
            table_hbm.at[idx_v.at[0]], rows_v.at[b], sem_g).wait()

        def add_row(r):
            for c in range(VECS):
                sl = pl.ds(c * L, L)
                plsc.addupdate(rows_v.at[b, r, sl], pos_v[r, sl])

        pl.loop(0, S_PER_W)(add_row)
        pltpu.async_copy(
            rows_v.at[b], out_hbm.at[pl.ds(b * SEQ + base_s, S_PER_W)], sem_a)

    pl.loop(0, BATCH)(do_chunk)

    for b in range(BATCH):
        pltpu.make_async_copy(
            out_hbm.at[pl.ds(base_s, S_PER_W)], rows_v.at[0], sem_a).wait()


@jax.jit
def _sc_call(x_flat, table, pos_emb):
    mesh = plsc.VectorSubcoreMesh(core_axis_name="c", subcore_axis_name="s")
    kfn = functools.partial(
        pl.kernel,
        mesh=mesh,
        out_type=jax.ShapeDtypeStruct((TOTAL, D), jnp.float32),
        scratch_types=[
            pltpu.VMEM((BATCH, S_PER_W), jnp.int32),
            pltpu.VMEM((S_PER_W, D), jnp.float32),
            pltpu.VMEM((BATCH, S_PER_W, D), jnp.float32),
            pltpu.SemaphoreType.DMA,
            pltpu.SemaphoreType.DMA,
            pltpu.SemaphoreType.DMA,
        ],
    )(_sc_body)
    return kfn(x_flat, table, pos_emb)


def kernel(x, table, pos_emb):
    out = _sc_call(x.astype(jnp.int32), table, pos_emb)
    return out.reshape(BATCH, SEQ, D)

# --- scband reference (transcript-rebuilt; emitter-appended) ---
"""Pipeline reference for scband-bertinput-representation-69398081569261 (READ-ONLY COPY).

The authoritative reference and input builder live on the scoring server;
editing this copy changes nothing except your own understanding.
"""

import jax, jax.numpy as jnp
import numpy as np

VOCAB = 100000
D_MODEL = 128
BATCH = 4
SEQ_LEN = 2048

def setup_inputs(seed: int = 0) -> dict:
    key = jax.random.key(seed)
    k1, k2, k3 = jax.random.split(key, 3)
    x = jax.random.randint(k1, (BATCH, SEQ_LEN), 0, VOCAB, dtype=jnp.int64 if jax.config.jax_enable_x64 else jnp.int32)
    table = jax.random.normal(k2, (VOCAB, D_MODEL), dtype=jnp.float32) * 0.02
    pos_emb = jax.random.normal(k3, (SEQ_LEN, D_MODEL), dtype=jnp.float32) * 0.02
    return {"x": x, "table": table, "pos_emb": pos_emb}

def reference(x, table, pos_emb):
    # input_token_embedding.forward(x): gather rows from embedding table
    x1 = jnp.take(table, x, axis=0)  # [B, S, D]
    # seg_len == 1 -> x2 = x1 (segment embedding branch skipped)
    x2 = x1
    # positional_encoding(x2): learned positional table broadcast over batch
    x3 = x2 + pos_emb[None, :, :]
    return x3

if __name__ == "__main__":
    import jax
    _d = setup_inputs()
    print(jax.jit(kernel)(*tuple(_d.values())))

</pallas_src>

<mosaic_0001>
#map = affine_map<(d0, d1) -> (0, 0)>
module attributes {stable_mosaic.version = 14 : i64} {
  func.func @_sc_body(%arg0: i32, %arg1: i32, %arg2: memref<4x2048xi32, #tpu.memory_space<hbm>>, %arg3: memref<100000x128xf32, #tpu.memory_space<hbm>>, %arg4: memref<2048x128xf32, #tpu.memory_space<hbm>>, %arg5: memref<8192x128xf32, #tpu.memory_space<hbm>>, %arg6: memref<4x64xi32, #tpu.memory_space<vmem>>, %arg7: memref<64x128xf32, #tpu.memory_space<vmem>>, %arg8: memref<4x64x128xf32, #tpu.memory_space<vmem>>, %arg9: memref<!tpu.dma_semaphore, #tpu.memory_space<semaphore_mem>>, %arg10: memref<!tpu.dma_semaphore, #tpu.memory_space<semaphore_mem>>, %arg11: memref<!tpu.dma_semaphore, #tpu.memory_space<semaphore_mem>>) attributes {dimension_semantics = [#tpu.dimension_semantics<core_parallel>, #tpu.dimension_semantics<subcore_parallel>], iteration_bounds = array<i64: 2, 16>, scalar_prefetch = 0 : i64, scratch_operands = 6 : i64, tpu.core_type = #tpu.core_type<sc_vector_subcore>, window_params = [{transform_indices = #map}, {transform_indices = #map}, {transform_indices = #map}, {transform_indices = #map}]} {
    %mul3A = arith.constant 2 : i32
    %mul3A_0 = arith.muli %arg1, %mul3A : i32
    %add3A = arith.addi %mul3A_0, %arg0 : i32
    %mul3A_1 = arith.constant 64 : i32
    %mul3A_2 = arith.muli %add3A, %mul3A_1 : i32
    %dma_start3A = arith.constant 0 : i32
    %dma_start3A_3 = arith.constant 0 : i32
    %dma_start3A_4 = arith.constant 0 : i32
    %dma_start3A_5 = tpu.memref_slice %arg6[%dma_start3A_3, %dma_start3A_4] : memref<4x64xi32, #tpu.memory_space<vmem>> -> memref<1x64xi32, #tpu.memory_space<vmem>>
    %dma_start3A_6 = tpu.memref_squeeze %dma_start3A_5 : memref<1x64xi32, #tpu.memory_space<vmem>> -> memref<64xi32, #tpu.memory_space<vmem>>
    %dma_start3A_7 = tpu.memref_slice %arg2[%dma_start3A, %mul3A_2] : memref<4x2048xi32, #tpu.memory_space<hbm>> -> memref<1x64xi32, #tpu.memory_space<hbm>>
    %dma_start3A_8 = tpu.memref_squeeze %dma_start3A_7 : memref<1x64xi32, #tpu.memory_space<hbm>> -> memref<64xi32, #tpu.memory_space<hbm>>
    %dma_start3A_9 = arith.constant 0 : i32
    %dma_start3A_10 = tpu.memref_slice %arg6[%dma_start3A_3, %dma_start3A_9] : memref<4x64xi32, #tpu.memory_space<vmem>> -> memref<1x64xi32, #tpu.memory_space<vmem>>
    %dma_start3A_11 = tpu.memref_squeeze %dma_start3A_10 : memref<1x64xi32, #tpu.memory_space<vmem>> -> memref<64xi32, #tpu.memory_space<vmem>>
    %dma_start3A_12 = tpu.memref_slice %arg2[%dma_start3A, %mul3A_2] : memref<4x2048xi32, #tpu.memory_space<hbm>> -> memref<1x64xi32, #tpu.memory_space<hbm>>
    %dma_start3A_13 = tpu.memref_squeeze %dma_start3A_12 : memref<1x64xi32, #tpu.memory_space<hbm>> -> memref<64xi32, #tpu.memory_space<hbm>>
    tpu.enqueue_dma source(%dma_start3A_13 : memref<64xi32, #tpu.memory_space<hbm>>) target(%dma_start3A_11 : memref<64xi32, #tpu.memory_space<vmem>>) target_semaphore(%arg9 : memref<!tpu.dma_semaphore, #tpu.memory_space<semaphore_mem>>)
    %dma_start3A_14 = arith.constant 1 : i32
    %dma_start3A_15 = arith.constant 1 : i32
    %dma_start3A_16 = arith.constant 0 : i32
    %dma_start3A_17 = tpu.memref_slice %arg6[%dma_start3A_15, %dma_start3A_16] : memref<4x64xi32, #tpu.memory_space<vmem>> -> memref<1x64xi32, #tpu.memory_space<vmem>>
    %dma_start3A_18 = tpu.memref_squeeze %dma_start3A_17 : memref<1x64xi32, #tpu.memory_space<vmem>> -> memref<64xi32, #tpu.memory_space<vmem>>
    %dma_start3A_19 = tpu.memref_slice %arg2[%dma_start3A_14, %mul3A_2] : memref<4x2048xi32, #tpu.memory_space<hbm>> -> memref<1x64xi32, #tpu.memory_space<hbm>>
    %dma_start3A_20 = tpu.memref_squeeze %dma_start3A_19 : memref<1x64xi32, #tpu.memory_space<hbm>> -> memref<64xi32, #tpu.memory_space<hbm>>
    %dma_start3A_21 = arith.constant 0 : i32
    %dma_start3A_22 = tpu.memref_slice %arg6[%dma_start3A_15, %dma_start3A_21] : memref<4x64xi32, #tpu.memory_space<vmem>> -> memref<1x64xi32, #tpu.memory_space<vmem>>
    %dma_start3A_23 = tpu.memref_squeeze %dma_start3A_22 : memref<1x64xi32, #tpu.memory_space<vmem>> -> memref<64xi32, #tpu.memory_space<vmem>>
    %dma_start3A_24 = tpu.memref_slice %arg2[%dma_start3A_14, %mul3A_2] : memref<4x2048xi32, #tpu.memory_space<hbm>> -> memref<1x64xi32, #tpu.memory_space<hbm>>
    %dma_start3A_25 = tpu.memref_squeeze %dma_start3A_24 : memref<1x64xi32, #tpu.memory_space<hbm>> -> memref<64xi32, #tpu.memory_space<hbm>>
    tpu.enqueue_dma source(%dma_start3A_25 : memref<64xi32, #tpu.memory_space<hbm>>) target(%dma_start3A_23 : memref<64xi32, #tpu.memory_space<vmem>>) target_semaphore(%arg9 : memref<!tpu.dma_semaphore, #tpu.memory_space<semaphore_mem>>)
    %dma_start3A_26 = arith.constant 2 : i32
    %dma_start3A_27 = arith.constant 2 : i32
    %dma_start3A_28 = arith.constant 0 : i32
    %dma_start3A_29 = tpu.memref_slice %arg6[%dma_start3A_27, %dma_start3A_28] : memref<4x64xi32, #tpu.memory_space<vmem>> -> memref<1x64xi32, #tpu.memory_space<vmem>>
    %dma_start3A_30 = tpu.memref_squeeze %dma_start3A_29 : memref<1x64xi32, #tpu.memory_space<vmem>> -> memref<64xi32, #tpu.memory_space<vmem>>
    %dma_start3A_31 = tpu.memref_slice %arg2[%dma_start3A_26, %mul3A_2] : memref<4x2048xi32, #tpu.memory_space<hbm>> -> memref<1x64xi32, #tpu.memory_space<hbm>>
    %dma_start3A_32 = tpu.memref_squeeze %dma_start3A_31 : memref<1x64xi32, #tpu.memory_space<hbm>> -> memref<64xi32, #tpu.memory_space<hbm>>
    %dma_start3A_33 = arith.constant 0 : i32
    %dma_start3A_34 = tpu.memref_slice %arg6[%dma_start3A_27, %dma_start3A_33] : memref<4x64xi32, #tpu.memory_space<vmem>> -> memref<1x64xi32, #tpu.memory_space<vmem>>
    %dma_start3A_35 = tpu.memref_squeeze %dma_start3A_34 : memref<1x64xi32, #tpu.memory_space<vmem>> -> memref<64xi32, #tpu.memory_space<vmem>>
    %dma_start3A_36 = tpu.memref_slice %arg2[%dma_start3A_26, %mul3A_2] : memref<4x2048xi32, #tpu.memory_space<hbm>> -> memref<1x64xi32, #tpu.memory_space<hbm>>
    %dma_start3A_37 = tpu.memref_squeeze %dma_start3A_36 : memref<1x64xi32, #tpu.memory_space<hbm>> -> memref<64xi32, #tpu.memory_space<hbm>>
    tpu.enqueue_dma source(%dma_start3A_37 : memref<64xi32, #tpu.memory_space<hbm>>) target(%dma_start3A_35 : memref<64xi32, #tpu.memory_space<vmem>>) target_semaphore(%arg9 : memref<!tpu.dma_semaphore, #tpu.memory_space<semaphore_mem>>)
    %dma_start3A_38 = arith.constant 3 : i32
    %dma_start3A_39 = arith.constant 3 : i32
    %dma_start3A_40 = arith.constant 0 : i32
    %dma_start3A_41 = tpu.memref_slice %arg6[%dma_start3A_39, %dma_start3A_40] : memref<4x64xi32, #tpu.memory_space<vmem>> -> memref<1x64xi32, #tpu.memory_space<vmem>>
    %dma_start3A_42 = tpu.memref_squeeze %dma_start3A_41 : memref<1x64xi32, #tpu.memory_space<vmem>> -> memref<64xi32, #tpu.memory_space<vmem>>
    %dma_start3A_43 = tpu.memref_slice %arg2[%dma_start3A_38, %mul3A_2] : memref<4x2048xi32, #tpu.memory_space<hbm>> -> memref<1x64xi32, #tpu.memory_space<hbm>>
    %dma_start3A_44 = tpu.memref_squeeze %dma_start3A_43 : memref<1x64xi32, #tpu.memory_space<hbm>> -> memref<64xi32, #tpu.memory_space<hbm>>
    %dma_start3A_45 = arith.constant 0 : i32
    %dma_start3A_46 = tpu.memref_slice %arg6[%dma_start3A_39, %dma_start3A_45] : memref<4x64xi32, #tpu.memory_space<vmem>> -> memref<1x64xi32, #tpu.memory_space<vmem>>
    %dma_start3A_47 = tpu.memref_squeeze %dma_start3A_46 : memref<1x64xi32, #tpu.memory_space<vmem>> -> memref<64xi32, #tpu.memory_space<vmem>>
    %dma_start3A_48 = tpu.memref_slice %arg2[%dma_start3A_38, %mul3A_2] : memref<4x2048xi32, #tpu.memory_space<hbm>> -> memref<1x64xi32, #tpu.memory_space<hbm>>
    %dma_start3A_49 = tpu.memref_squeeze %dma_start3A_48 : memref<1x64xi32, #tpu.memory_space<hbm>> -> memref<64xi32, #tpu.memory_space<hbm>>
    tpu.enqueue_dma source(%dma_start3A_49 : memref<64xi32, #tpu.memory_space<hbm>>) target(%dma_start3A_47 : memref<64xi32, #tpu.memory_space<vmem>>) target_semaphore(%arg9 : memref<!tpu.dma_semaphore, #tpu.memory_space<semaphore_mem>>)
    %dma_start3A_50 = arith.constant 0 : i32
    %dma_start3A_51 = tpu.memref_slice %arg4[%mul3A_2, %dma_start3A_50] : memref<2048x128xf32, #tpu.memory_space<hbm>> -> memref<64x128xf32, #tpu.memory_space<hbm>>
    %dma_start3A_52 = arith.constant 0 : i32
    %dma_start3A_53 = tpu.memref_slice %arg4[%mul3A_2, %dma_start3A_52] : memref<2048x128xf32, #tpu.memory_space<hbm>> -> memref<64x128xf32, #tpu.memory_space<hbm>>
    tpu.enqueue_dma source(%dma_start3A_53 : memref<64x128xf32, #tpu.memory_space<hbm>>) target(%arg7 : memref<64x128xf32, #tpu.memory_space<vmem>>) target_semaphore(%arg10 : memref<!tpu.dma_semaphore, #tpu.memory_space<semaphore_mem>>)
    %dma_wait3A = arith.constant 0 : i32
    %dma_wait3A_54 = arith.constant 0 : i32
    %dma_wait3A_55 = arith.constant 0 : i32
    %dma_wait3A_56 = tpu.memref_slice %arg6[%dma_wait3A_54, %dma_wait3A_55] : memref<4x64xi32, #tpu.memory_space<vmem>> -> memref<1x64xi32, #tpu.memory_space<vmem>>
    %dma_wait3A_57 = tpu.memref_squeeze %dma_wait3A_56 : memref<1x64xi32, #tpu.memory_space<vmem>> -> memref<64xi32, #tpu.memory_space<vmem>>
    %dma_wait3A_58 = tpu.memref_slice %arg2[%dma_wait3A, %mul3A_2] : memref<4x2048xi32, #tpu.memory_space<hbm>> -> memref<1x64xi32, #tpu.memory_space<hbm>>
    %dma_wait3A_59 = tpu.memref_squeeze %dma_wait3A_58 : memref<1x64xi32, #tpu.memory_space<hbm>> -> memref<64xi32, #tpu.memory_space<hbm>>
    %dma_wait3A_60 = arith.constant 0 : i32
    %dma_wait3A_61 = tpu.memref_slice %arg6[%dma_wait3A_54, %dma_wait3A_60] : memref<4x64xi32, #tpu.memory_space<vmem>> -> memref<1x64xi32, #tpu.memory_space<vmem>>
    %dma_wait3A_62 = tpu.memref_squeeze %dma_wait3A_61 : memref<1x64xi32, #tpu.memory_space<vmem>> -> memref<64xi32, #tpu.memory_space<vmem>>
    %dma_wait3A_63 = tpu.memref_slice %arg2[%dma_wait3A, %mul3A_2] : memref<4x2048xi32, #tpu.memory_space<hbm>> -> memref<1x64xi32, #tpu.memory_space<hbm>>
    %dma_wait3A_64 = tpu.memref_squeeze %dma_wait3A_63 : memref<1x64xi32, #tpu.memory_space<hbm>> -> memref<64xi32, #tpu.memory_space<hbm>>
    tpu.wait_dma2 semaphore(%arg9 : memref<!tpu.dma_semaphore, #tpu.memory_space<semaphore_mem>>) src(%dma_wait3A_64 : memref<64xi32, #tpu.memory_space<hbm>>) dst(%dma_wait3A_62 : memref<64xi32, #tpu.memory_space<vmem>>)
    %dma_wait3A_65 = arith.constant 1 : i32
    %dma_wait3A_66 = arith.constant 1 : i32
    %dma_wait3A_67 = arith.constant 0 : i32
    %dma_wait3A_68 = tpu.memref_slice %arg6[%dma_wait3A_66, %dma_wait3A_67] : memref<4x64xi32, #tpu.memory_space<vmem>> -> memref<1x64xi32, #tpu.memory_space<vmem>>
    %dma_wait3A_69 = tpu.memref_squeeze %dma_wait3A_68 : memref<1x64xi32, #tpu.memory_space<vmem>> -> memref<64xi32, #tpu.memory_space<vmem>>
    %dma_wait3A_70 = tpu.memref_slice %arg2[%dma_wait3A_65, %mul3A_2] : memref<4x2048xi32, #tpu.memory_space<hbm>> -> memref<1x64xi32, #tpu.memory_space<hbm>>
    %dma_wait3A_71 = tpu.memref_squeeze %dma_wait3A_70 : memref<1x64xi32, #tpu.memory_space<hbm>> -> memref<64xi32, #tpu.memory_space<hbm>>
    %dma_wait3A_72 = arith.constant 0 : i32
    %dma_wait3A_73 = tpu.memref_slice %arg6[%dma_wait3A_66, %dma_wait3A_72] : memref<4x64xi32, #tpu.memory_space<vmem>> -> memref<1x64xi32, #tpu.memory_space<vmem>>
    %dma_wait3A_74 = tpu.memref_squeeze %dma_wait3A_73 : memref<1x64xi32, #tpu.memory_space<vmem>> -> memref<64xi32, #tpu.memory_space<vmem>>
    %dma_wait3A_75 = tpu.memref_slice %arg2[%dma_wait3A_65, %mul3A_2] : memref<4x2048xi32, #tpu.memory_space<hbm>> -> memref<1x64xi32, #tpu.memory_space<hbm>>
    %dma_wait3A_76 = tpu.memref_squeeze %dma_wait3A_75 : memref<1x64xi32, #tpu.memory_space<hbm>> -> memref<64xi32, #tpu.memory_space<hbm>>
    tpu.wait_dma2 semaphore(%arg9 : memref<!tpu.dma_semaphore, #tpu.memory_space<semaphore_mem>>) src(%dma_wait3A_76 : memref<64xi32, #tpu.memory_space<hbm>>) dst(%dma_wait3A_74 : memref<64xi32, #tpu.memory_space<vmem>>)
    %dma_wait3A_77 = arith.constant 2 : i32
    %dma_wait3A_78 = arith.constant 2 : i32
    %dma_wait3A_79 = arith.constant 0 : i32
    %dma_wait3A_80 = tpu.memref_slice %arg6[%dma_wait3A_78, %dma_wait3A_79] : memref<4x64xi32, #tpu.memory_space<vmem>> -> memref<1x64xi32, #tpu.memory_space<vmem>>
    %dma_wait3A_81 = tpu.memref_squeeze %dma_wait3A_80 : memref<1x64xi32, #tpu.memory_space<vmem>> -> memref<64xi32, #tpu.memory_space<vmem>>
    %dma_wait3A_82 = tpu.memref_slice %arg2[%dma_wait3A_77, %mul3A_2] : memref<4x2048xi32, #tpu.memory_space<hbm>> -> memref<1x64xi32, #tpu.memory_space<hbm>>
    %dma_wait3A_83 = tpu.memref_squeeze %dma_wait3A_82 : memref<1x64xi32, #tpu.memory_space<hbm>> -> memref<64xi32, #tpu.memory_space<hbm>>
    %dma_wait3A_84 = arith.constant 0 : i32
    %dma_wait3A_85 = tpu.memref_slice %arg6[%dma_wait3A_78, %dma_wait3A_84] : memref<4x64xi32, #tpu.memory_space<vmem>> -> memref<1x64xi32, #tpu.memory_space<vmem>>
    %dma_wait3A_86 = tpu.memref_squeeze %dma_wait3A_85 : memref<1x64xi32, #tpu.memory_space<vmem>> -> memref<64xi32, #tpu.memory_space<vmem>>
    %dma_wait3A_87 = tpu.memref_slice %arg2[%dma_wait3A_77, %mul3A_2] : memref<4x2048xi32, #tpu.memory_space<hbm>> -> memref<1x64xi32, #tpu.memory_space<hbm>>
    %dma_wait3A_88 = tpu.memref_squeeze %dma_wait3A_87 : memref<1x64xi32, #tpu.memory_space<hbm>> -> memref<64xi32, #tpu.memory_space<hbm>>
    tpu.wait_dma2 semaphore(%arg9 : memref<!tpu.dma_semaphore, #tpu.memory_space<semaphore_mem>>) src(%dma_wait3A_88 : memref<64xi32, #tpu.memory_space<hbm>>) dst(%dma_wait3A_86 : memref<64xi32, #tpu.memory_space<vmem>>)
    %dma_wait3A_89 = arith.constant 3 : i32
    %dma_wait3A_90 = arith.constant 3 : i32
    %dma_wait3A_91 = arith.constant 0 : i32
    %dma_wait3A_92 = tpu.memref_slice %arg6[%dma_wait3A_90, %dma_wait3A_91] : memref<4x64xi32, #tpu.memory_space<vmem>> -> memref<1x64xi32, #tpu.memory_space<vmem>>
    %dma_wait3A_93 = tpu.memref_squeeze %dma_wait3A_92 : memref<1x64xi32, #tpu.memory_space<vmem>> -> memref<64xi32, #tpu.memory_space<vmem>>
    %dma_wait3A_94 = tpu.memref_slice %arg2[%dma_wait3A_89, %mul3A_2] : memref<4x2048xi32, #tpu.memory_space<hbm>> -> memref<1x64xi32, #tpu.memory_space<hbm>>
    %dma_wait3A_95 = tpu.memref_squeeze %dma_wait3A_94 : memref<1x64xi32, #tpu.memory_space<hbm>> -> memref<64xi32, #tpu.memory_space<hbm>>
    %dma_wait3A_96 = arith.constant 0 : i32
    %dma_wait3A_97 = tpu.memref_slice %arg6[%dma_wait3A_90, %dma_wait3A_96] : memref<4x64xi32, #tpu.memory_space<vmem>> -> memref<1x64xi32, #tpu.memory_space<vmem>>
    %dma_wait3A_98 = tpu.memref_squeeze %dma_wait3A_97 : memref<1x64xi32, #tpu.memory_space<vmem>> -> memref<64xi32, #tpu.memory_space<vmem>>
    %dma_wait3A_99 = tpu.memref_slice %arg2[%dma_wait3A_89, %mul3A_2] : memref<4x2048xi32, #tpu.memory_space<hbm>> -> memref<1x64xi32, #tpu.memory_space<hbm>>
    %dma_wait3A_100 = tpu.memref_squeeze %dma_wait3A_99 : memref<1x64xi32, #tpu.memory_space<hbm>> -> memref<64xi32, #tpu.memory_space<hbm>>
    tpu.wait_dma2 semaphore(%arg9 : memref<!tpu.dma_semaphore, #tpu.memory_space<semaphore_mem>>) src(%dma_wait3A_100 : memref<64xi32, #tpu.memory_space<hbm>>) dst(%dma_wait3A_98 : memref<64xi32, #tpu.memory_space<vmem>>)
    %dma_start3A_101 = arith.constant 0 : i32
    %dma_start3A_102 = arith.constant 0 : i32
    %dma_start3A_103 = arith.constant 0 : i32
    %dma_start3A_104 = arith.constant 0 : i32
    %dma_start3A_105 = tpu.memref_slice %arg8[%dma_start3A_102, %dma_start3A_103, %dma_start3A_104] : memref<4x64x128xf32, #tpu.memory_space<vmem>> -> memref<1x64x128xf32, #tpu.memory_space<vmem>>
    %dma_start3A_106 = tpu.memref_squeeze %dma_start3A_105 : memref<1x64x128xf32, #tpu.memory_space<vmem>> -> memref<64x128xf32, #tpu.memory_space<vmem>>
    %dma_start3A_107 = arith.constant 0 : i32
    %dma_start3A_108 = tpu.memref_slice %arg6[%dma_start3A_101, %dma_start3A_107] : memref<4x64xi32, #tpu.memory_space<vmem>> -> memref<1x64xi32, #tpu.memory_space<vmem>>
    %dma_start3A_109 = tpu.memref_squeeze %dma_start3A_108 : memref<1x64xi32, #tpu.memory_space<vmem>> -> memref<64xi32, #tpu.memory_space<vmem>>
    %dma_start3A_110 = arith.constant 0 : i32
    %dma_start3A_111 = arith.constant 0 : i32
    %dma_start3A_112 = tpu.memref_slice %arg3[%dma_start3A_110, %dma_start3A_111] : memref<100000x128xf32, #tpu.memory_space<hbm>> -> memref<100000x128xf32, #tpu.memory_space<hbm>>
    tpu.enqueue_indirect_dma source(%dma_start3A_112 : memref<100000x128xf32, #tpu.memory_space<hbm>>) target(%dma_start3A_106 : memref<64x128xf32, #tpu.memory_space<vmem>>) offsets(%dma_start3A_109 : memref<64xi32, #tpu.memory_space<vmem>>) semaphore(%arg11 : memref<!tpu.dma_semaphore, #tpu.memory_space<semaphore_mem>>)
    %dma_start3A_113 = arith.constant 1 : i32
    %dma_start3A_114 = arith.constant 1 : i32
    %dma_start3A_115 = arith.constant 0 : i32
    %dma_start3A_116 = arith.constant 0 : i32
    %dma_start3A_117 = tpu.memref_slice %arg8[%dma_start3A_114, %dma_start3A_115, %dma_start3A_116] : memref<4x64x128xf32, #tpu.memory_space<vmem>> -> memref<1x64x128xf32, #tpu.memory_space<vmem>>
    %dma_start3A_118 = tpu.memref_squeeze %dma_start3A_117 : memref<1x64x128xf32, #tpu.memory_space<vmem>> -> memref<64x128xf32, #tpu.memory_space<vmem>>
    %dma_start3A_119 = arith.constant 0 : i32
    %dma_start3A_120 = tpu.memref_slice %arg6[%dma_start3A_113, %dma_start3A_119] : memref<4x64xi32, #tpu.memory_space<vmem>> -> memref<1x64xi32, #tpu.memory_space<vmem>>
    %dma_start3A_121 = tpu.memref_squeeze %dma_start3A_120 : memref<1x64xi32, #tpu.memory_space<vmem>> -> memref<64xi32, #tpu.memory_space<vmem>>
    %dma_start3A_122 = arith.constant 0 : i32
    %dma_start3A_123 = arith.constant 0 : i32
    %dma_start3A_124 = tpu.memref_slice %arg3[%dma_start3A_122, %dma_start3A_123] : memref<100000x128xf32, #tpu.memory_space<hbm>> -> memref<100000x128xf32, #tpu.memory_space<hbm>>
    tpu.enqueue_indirect_dma source(%dma_start3A_124 : memref<100000x128xf32, #tpu.memory_space<hbm>>) target(%dma_start3A_118 : memref<64x128xf32, #tpu.memory_space<vmem>>) offsets(%dma_start3A_121 : memref<64xi32, #tpu.memory_space<vmem>>) semaphore(%arg11 : memref<!tpu.dma_semaphore, #tpu.memory_space<semaphore_mem>>)
    %dma_start3A_125 = arith.constant 2 : i32
    %dma_start3A_126 = arith.constant 2 : i32
    %dma_start3A_127 = arith.constant 0 : i32
    %dma_start3A_128 = arith.constant 0 : i32
    %dma_start3A_129 = tpu.memref_slice %arg8[%dma_start3A_126, %dma_start3A_127, %dma_start3A_128] : memref<4x64x128xf32, #tpu.memory_space<vmem>> -> memref<1x64x128xf32, #tpu.memory_space<vmem>>
    %dma_start3A_130 = tpu.memref_squeeze %dma_start3A_129 : memref<1x64x128xf32, #tpu.memory_space<vmem>> -> memref<64x128xf32, #tpu.memory_space<vmem>>
    %dma_start3A_131 = arith.constant 0 : i32
    %dma_start3A_132 = tpu.memref_slice %arg6[%dma_start3A_125, %dma_start3A_131] : memref<4x64xi32, #tpu.memory_space<vmem>> -> memref<1x64xi32, #tpu.memory_space<vmem>>
    %dma_start3A_133 = tpu.memref_squeeze %dma_start3A_132 : memref<1x64xi32, #tpu.memory_space<vmem>> -> memref<64xi32, #tpu.memory_space<vmem>>
    %dma_start3A_134 = arith.constant 0 : i32
    %dma_start3A_135 = arith.constant 0 : i32
    %dma_start3A_136 = tpu.memref_slice %arg3[%dma_start3A_134, %dma_start3A_135] : memref<100000x128xf32, #tpu.memory_space<hbm>> -> memref<100000x128xf32, #tpu.memory_space<hbm>>
    tpu.enqueue_indirect_dma source(%dma_start3A_136 : memref<100000x128xf32, #tpu.memory_space<hbm>>) target(%dma_start3A_130 : memref<64x128xf32, #tpu.memory_space<vmem>>) offsets(%dma_start3A_133 : memref<64xi32, #tpu.memory_space<vmem>>) semaphore(%arg11 : memref<!tpu.dma_semaphore, #tpu.memory_space<semaphore_mem>>)
    %dma_start3A_137 = arith.constant 3 : i32
    %dma_start3A_138 = arith.constant 3 : i32
    %dma_start3A_139 = arith.constant 0 : i32
    %dma_start3A_140 = arith.constant 0 : i32
    %dma_start3A_141 = tpu.memref_slice %arg8[%dma_start3A_138, %dma_start3A_139, %dma_start3A_140] : memref<4x64x128xf32, #tpu.memory_space<vmem>> -> memref<1x64x128xf32, #tpu.memory_space<vmem>>
    %dma_start3A_142 = tpu.memref_squeeze %dma_start3A_141 : memref<1x64x128xf32, #tpu.memory_space<vmem>> -> memref<64x128xf32, #tpu.memory_space<vmem>>
    %dma_start3A_143 = arith.constant 0 : i32
    %dma_start3A_144 = tpu.memref_slice %arg6[%dma_start3A_137, %dma_start3A_143] : memref<4x64xi32, #tpu.memory_space<vmem>> -> memref<1x64xi32, #tpu.memory_space<vmem>>
    %dma_start3A_145 = tpu.memref_squeeze %dma_start3A_144 : memref<1x64xi32, #tpu.memory_space<vmem>> -> memref<64xi32, #tpu.memory_space<vmem>>
    %dma_start3A_146 = arith.constant 0 : i32
    %dma_start3A_147 = arith.constant 0 : i32
    %dma_start3A_148 = tpu.memref_slice %arg3[%dma_start3A_146, %dma_start3A_147] : memref<100000x128xf32, #tpu.memory_space<hbm>> -> memref<100000x128xf32, #tpu.memory_space<hbm>>
    tpu.enqueue_indirect_dma source(%dma_start3A_148 : memref<100000x128xf32, #tpu.memory_space<hbm>>) target(%dma_start3A_142 : memref<64x128xf32, #tpu.memory_space<vmem>>) offsets(%dma_start3A_145 : memref<64xi32, #tpu.memory_space<vmem>>) semaphore(%arg11 : memref<!tpu.dma_semaphore, #tpu.memory_space<semaphore_mem>>)
    %dma_wait3A_149 = arith.constant 0 : i32
    %dma_wait3A_150 = tpu.memref_slice %arg4[%mul3A_2, %dma_wait3A_149] : memref<2048x128xf32, #tpu.memory_space<hbm>> -> memref<64x128xf32, #tpu.memory_space<hbm>>
    %dma_wait3A_151 = arith.constant 0 : i32
    %dma_wait3A_152 = tpu.memref_slice %arg4[%mul3A_2, %dma_wait3A_151] : memref<2048x128xf32, #tpu.memory_space<hbm>> -> memref<64x128xf32, #tpu.memory_space<hbm>>
    tpu.wait_dma2 semaphore(%arg10 : memref<!tpu.dma_semaphore, #tpu.memory_space<semaphore_mem>>) src(%dma_wait3A_152 : memref<64x128xf32, #tpu.memory_space<hbm>>) dst(%arg7 : memref<64x128xf32, #tpu.memory_space<vmem>>)
    %scan3A = arith.constant 0 : i32
    %scan3A_153 = arith.constant 4 : i32
    %scan3A_154 = arith.addi %scan3A, %scan3A_153 : i32
    %scan3A_155 = arith.constant 1 : i32
    scf.for %scan3A_209 = %scan3A to %scan3A_154 step %scan3A_155  : i32 {
      %mul3A_210 = arith.constant 1 : i32
      %mul3A_211 = arith.muli %scan3A_209, %mul3A_210 : i32
      %add3A_212 = arith.constant 0 : i32
      %add3A_213 = arith.addi %add3A_212, %mul3A_211 : i32
      %dma_wait3A_214 = arith.constant 0 : i32
      %dma_wait3A_215 = arith.constant 0 : i32
      %dma_wait3A_216 = arith.constant 0 : i32
      %dma_wait3A_217 = tpu.memref_slice %arg8[%add3A_213, %dma_wait3A_215, %dma_wait3A_216] : memref<4x64x128xf32, #tpu.memory_space<vmem>> -> memref<1x64x128xf32, #tpu.memory_space<vmem>>
      %dma_wait3A_218 = tpu.memref_squeeze %dma_wait3A_217 : memref<1x64x128xf32, #tpu.memory_space<vmem>> -> memref<64x128xf32, #tpu.memory_space<vmem>>
      %dma_wait3A_219 = arith.constant 0 : i32
      %dma_wait3A_220 = tpu.memref_slice %arg6[%dma_wait3A_214, %dma_wait3A_219] : memref<4x64xi32, #tpu.memory_space<vmem>> -> memref<1x64xi32, #tpu.memory_space<vmem>>
      %dma_wait3A_221 = tpu.memref_squeeze %dma_wait3A_220 : memref<1x64xi32, #tpu.memory_space<vmem>> -> memref<64xi32, #tpu.memory_space<vmem>>
      %dma_wait3A_222 = arith.constant 0 : i32
      %dma_wait3A_223 = arith.constant 0 : i32
      %dma_wait3A_224 = tpu.memref_slice %arg3[%dma_wait3A_222, %dma_wait3A_223] : memref<100000x128xf32, #tpu.memory_space<hbm>> -> memref<100000x128xf32, #tpu.memory_space<hbm>>
      tpu.wait_indirect_dma semaphore(%arg11 : memref<!tpu.dma_semaphore, #tpu.memory_space<semaphore_mem>>) src(%dma_wait3A_224 : memref<100000x128xf32, #tpu.memory_space<hbm>>) dst(%dma_wait3A_218 : memref<64x128xf32, #tpu.memory_space<vmem>>)
      %scan3A_225 = arith.constant 0 : i32
      %scan3A_226 = arith.constant 64 : i32
      %scan3A_227 = arith.addi %scan3A_225, %scan3A_226 : i32
      %scan3A_228 = arith.constant 1 : i32
      scf.for %scan3A_245 = %scan3A_225 to %scan3A_227 step %scan3A_228  : i32 {
        %mul3A_246 = arith.constant 1 : i32
        %mul3A_247 = arith.muli %scan3A_245, %mul3A_246 : i32
        %add3A_248 = arith.constant 0 : i32
        %add3A_249 = arith.addi %add3A_248, %mul3A_247 : i32
        %get3A = arith.index_cast %add3A_249 : i32 to index
        %get3A_250 = arith.constant 0 : index
        %get3A_251 = tpu.vector_load %arg7[%get3A, %get3A_250] {strides = array<i32>} : memref<64x128xf32, #tpu.memory_space<vmem>>, vector<1x16xf32>,
        %get3A_252 = vector.shape_cast %get3A_251 : vector<1x16xf32> to vector<16xf32>
        %swap3A = arith.index_cast %add3A_213 : i32 to index
        %swap3A_253 = arith.index_cast %add3A_249 : i32 to index
        %swap3A_254 = arith.constant 0 : index
        %swap3A_255 = tpu.vector_load %arg8[%swap3A, %swap3A_253, %swap3A_254] {strides = array<i32>} : memref<4x64x128xf32, #tpu.memory_space<vmem>>, vector<1x1x16xf32>,
        %swap3A_256 = vector.shape_cast %swap3A_255 : vector<1x1x16xf32> to vector<16xf32>
        %swap3A_257 = vector.shape_cast %get3A_252 : vector<16xf32> to vector<1x1x16xf32>
        tpu.vector_store %arg8[%swap3A, %swap3A_253, %swap3A_254], %swap3A_257 {add = true, strides = array<i32>} : memref<4x64x128xf32, #tpu.memory_space<vmem>>, vector<1x1x16xf32>,
        %get3A_258 = arith.index_cast %add3A_249 : i32 to index
        %get3A_259 = arith.constant 16 : index
        %get3A_260 = tpu.vector_load %arg7[%get3A_258, %get3A_259] {strides = array<i32>} : memref<64x128xf32, #tpu.memory_space<vmem>>, vector<1x16xf32>,
        %get3A_261 = vector.shape_cast %get3A_260 : vector<1x16xf32> to vector<16xf32>
        %swap3A_262 = arith.index_cast %add3A_213 : i32 to index
        %swap3A_263 = arith.index_cast %add3A_249 : i32 to index
        %swap3A_264 = arith.constant 16 : index
        %swap3A_265 = tpu.vector_load %arg8[%swap3A_262, %swap3A_263, %swap3A_264] {strides = array<i32>} : memref<4x64x128xf32, #tpu.memory_space<vmem>>, vector<1x1x16xf32>,
        %swap3A_266 = vector.shape_cast %swap3A_265 : vector<1x1x16xf32> to vector<16xf32>
        %swap3A_267 = vector.shape_cast %get3A_261 : vector<16xf32> to vector<1x1x16xf32>
        tpu.vector_store %arg8[%swap3A_262, %swap3A_263, %swap3A_264], %swap3A_267 {add = true, strides = array<i32>} : memref<4x64x128xf32, #tpu.memory_space<vmem>>, vector<1x1x16xf32>,
        %get3A_268 = arith.index_cast %add3A_249 : i32 to index
        %get3A_269 = arith.constant 32 : index
        %get3A_270 = tpu.vector_load %arg7[%get3A_268, %get3A_269] {strides = array<i32>} : memref<64x128xf32, #tpu.memory_space<vmem>>, vector<1x16xf32>,
        %get3A_271 = vector.shape_cast %get3A_270 : vector<1x16xf32> to vector<16xf32>
        %swap3A_272 = arith.index_cast %add3A_213 : i32 to index
        %swap3A_273 = arith.index_cast %add3A_249 : i32 to index
        %swap3A_274 = arith.constant 32 : index
        %swap3A_275 = tpu.vector_load %arg8[%swap3A_272, %swap3A_273, %swap3A_274] {strides = array<i32>} : memref<4x64x128xf32, #tpu.memory_space<vmem>>, vector<1x1x16xf32>,
        %swap3A_276 = vector.shape_cast %swap3A_275 : vector<1x1x16xf32> to vector<16xf32>
        %swap3A_277 = vector.shape_cast %get3A_271 : vector<16xf32> to vector<1x1x16xf32>
        tpu.vector_store %arg8[%swap3A_272, %swap3A_273, %swap3A_274], %swap3A_277 {add = true, strides = array<i32>} : memref<4x64x128xf32, #tpu.memory_space<vmem>>, vector<1x1x16xf32>,
        %get3A_278 = arith.index_cast %add3A_249 : i32 to index
        %get3A_279 = arith.constant 48 : index
        %get3A_280 = tpu.vector_load %arg7[%get3A_278, %get3A_279] {strides = array<i32>} : memref<64x128xf32, #tpu.memory_space<vmem>>, vector<1x16xf32>,
        %get3A_281 = vector.shape_cast %get3A_280 : vector<1x16xf32> to vector<16xf32>
        %swap3A_282 = arith.index_cast %add3A_213 : i32 to index
        %swap3A_283 = arith.index_cast %add3A_249 : i32 to index
        %swap3A_284 = arith.constant 48 : index
        %swap3A_285 = tpu.vector_load %arg8[%swap3A_282, %swap3A_283, %swap3A_284] {strides = array<i32>} : memref<4x64x128xf32, #tpu.memory_space<vmem>>, vector<1x1x16xf32>,
        %swap3A_286 = vector.shape_cast %swap3A_285 : vector<1x1x16xf32> to vector<16xf32>
        %swap3A_287 = vector.shape_cast %get3A_281 : vector<16xf32> to vector<1x1x16xf32>
        tpu.vector_store %arg8[%swap3A_282, %swap3A_283, %swap3A_284], %swap3A_287 {add = true, strides = array<i32>} : memref<4x64x128xf32, #tpu.memory_space<vmem>>, vector<1x1x16xf32>,
        %get3A_288 = arith.index_cast %add3A_249 : i32 to index
        %get3A_289 = arith.constant 64 : index
        %get3A_290 = tpu.vector_load %arg7[%get3A_288, %get3A_289] {strides = array<i32>} : memref<64x128xf32, #tpu.memory_space<vmem>>, vector<1x16xf32>,
        %get3A_291 = vector.shape_cast %get3A_290 : vector<1x16xf32> to vector<16xf32>
        %swap3A_292 = arith.index_cast %add3A_213 : i32 to index
        %swap3A_293 = arith.index_cast %add3A_249 : i32 to index
        %swap3A_294 = arith.constant 64 : index
        %swap3A_295 = tpu.vector_load %arg8[%swap3A_292, %swap3A_293, %swap3A_294] {strides = array<i32>} : memref<4x64x128xf32, #tpu.memory_space<vmem>>, vector<1x1x16xf32>,
        %swap3A_296 = vector.shape_cast %swap3A_295 : vector<1x1x16xf32> to vector<16xf32>
        %swap3A_297 = vector.shape_cast %get3A_291 : vector<16xf32> to vector<1x1x16xf32>
        tpu.vector_store %arg8[%swap3A_292, %swap3A_293, %swap3A_294], %swap3A_297 {add = true, strides = array<i32>} : memref<4x64x128xf32, #tpu.memory_space<vmem>>, vector<1x1x16xf32>,
        %get3A_298 = arith.index_cast %add3A_249 : i32 to index
        %get3A_299 = arith.constant 80 : index
        %get3A_300 = tpu.vector_load %arg7[%get3A_298, %get3A_299] {strides = array<i32>} : memref<64x128xf32, #tpu.memory_space<vmem>>, vector<1x16xf32>,
        %get3A_301 = vector.shape_cast %get3A_300 : vector<1x16xf32> to vector<16xf32>
        %swap3A_302 = arith.index_cast %add3A_213 : i32 to index
        %swap3A_303 = arith.index_cast %add3A_249 : i32 to index
        %swap3A_304 = arith.constant 80 : index
        %swap3A_305 = tpu.vector_load %arg8[%swap3A_302, %swap3A_303, %swap3A_304] {strides = array<i32>} : memref<4x64x128xf32, #tpu.memory_space<vmem>>, vector<1x1x16xf32>,
        %swap3A_306 = vector.shape_cast %swap3A_305 : vector<1x1x16xf32> to vector<16xf32>
        %swap3A_307 = vector.shape_cast %get3A_301 : vector<16xf32> to vector<1x1x16xf32>
        tpu.vector_store %arg8[%swap3A_302, %swap3A_303, %swap3A_304], %swap3A_307 {add = true, strides = array<i32>} : memref<4x64x128xf32, #tpu.memory_space<vmem>>, vector<1x1x16xf32>,
        %get3A_308 = arith.index_cast %add3A_249 : i32 to index
        %get3A_309 = arith.constant 96 : index
        %get3A_310 = tpu.vector_load %arg7[%get3A_308, %get3A_309] {strides = array<i32>} : memref<64x128xf32, #tpu.memory_space<vmem>>, vector<1x16xf32>,
        %get3A_311 = vector.shape_cast %get3A_310 : vector<1x16xf32> to vector<16xf32>
        %swap3A_312 = arith.index_cast %add3A_213 : i32 to index
        %swap3A_313 = arith.index_cast %add3A_249 : i32 to index
        %swap3A_314 = arith.constant 96 : index
        %swap3A_315 = tpu.vector_load %arg8[%swap3A_312, %swap3A_313, %swap3A_314] {strides = array<i32>} : memref<4x64x128xf32, #tpu.memory_space<vmem>>, vector<1x1x16xf32>,
        %swap3A_316 = vector.shape_cast %swap3A_315 : vector<1x1x16xf32> to vector<16xf32>
        %swap3A_317 = vector.shape_cast %get3A_311 : vector<16xf32> to vector<1x1x16xf32>
        tpu.vector_store %arg8[%swap3A_312, %swap3A_313, %swap3A_314], %swap3A_317 {add = true, strides = array<i32>} : memref<4x64x128xf32, #tpu.memory_space<vmem>>, vector<1x1x16xf32>,
        %get3A_318 = arith.index_cast %add3A_249 : i32 to index
        %get3A_319 = arith.constant 112 : index
        %get3A_320 = tpu.vector_load %arg7[%get3A_318, %get3A_319] {strides = array<i32>} : memref<64x128xf32, #tpu.memory_space<vmem>>, vector<1x16xf32>,
        %get3A_321 = vector.shape_cast %get3A_320 : vector<1x16xf32> to vector<16xf32>
        %swap3A_322 = arith.index_cast %add3A_213 : i32 to index
        %swap3A_323 = arith.index_cast %add3A_249 : i32 to index
        %swap3A_324 = arith.constant 112 : index
        %swap3A_325 = tpu.vector_load %arg8[%swap3A_322, %swap3A_323, %swap3A_324] {strides = array<i32>} : memref<4x64x128xf32, #tpu.memory_space<vmem>>, vector<1x1x16xf32>,
        %swap3A_326 = vector.shape_cast %swap3A_325 : vector<1x1x16xf32> to vector<16xf32>
        %swap3A_327 = vector.shape_cast %get3A_321 : vector<16xf32> to vector<1x1x16xf32>
        tpu.vector_store %arg8[%swap3A_322, %swap3A_323, %swap3A_324], %swap3A_327 {add = true, strides = array<i32>} : memref<4x64x128xf32, #tpu.memory_space<vmem>>, vector<1x1x16xf32>,
      }
      %scan3A_229 = arith.constant 64 : i32
      %mul3A_230 = arith.constant 2048 : i32
      %mul3A_231 = arith.muli %add3A_213, %mul3A_230 : i32
      %add3A_232 = arith.addi %mul3A_231, %mul3A_2 : i32
      %dma_start3A_233 = arith.constant 0 : i32
      %dma_start3A_234 = arith.constant 0 : i32
      %dma_start3A_235 = tpu.memref_slice %arg8[%add3A_213, %dma_start3A_233, %dma_start3A_234] : memref<4x64x128xf32, #tpu.memory_space<vmem>> -> memref<1x64x128xf32, #tpu.memory_space<vmem>>
      %dma_start3A_236 = tpu.memref_squeeze %dma_start3A_235 : memref<1x64x128xf32, #tpu.memory_space<vmem>> -> memref<64x128xf32, #tpu.memory_space<vmem>>
      %dma_start3A_237 = arith.constant 0 : i32
      %dma_start3A_238 = tpu.memref_slice %arg5[%add3A_232, %dma_start3A_237] : memref<8192x128xf32, #tpu.memory_space<hbm>> -> memref<64x128xf32, #tpu.memory_space<hbm>>
      %dma_start3A_239 = arith.constant 0 : i32
      %dma_start3A_240 = tpu.memref_slice %arg5[%add3A_232, %dma_start3A_239] : memref<8192x128xf32, #tpu.memory_space<hbm>> -> memref<64x128xf32, #tpu.memory_space<hbm>>
      %dma_start3A_241 = arith.constant 0 : i32
      %dma_start3A_242 = arith.constant 0 : i32
      %dma_start3A_243 = tpu.memref_slice %arg8[%add3A_213, %dma_start3A_241, %dma_start3A_242] : memref<4x64x128xf32, #tpu.memory_space<vmem>> -> memref<1x64x128xf32, #tpu.memory_space<vmem>>
      %dma_start3A_244 = tpu.memref_squeeze %dma_start3A_243 : memref<1x64x128xf32, #tpu.memory_space<vmem>> -> memref<64x128xf32, #tpu.memory_space<vmem>>
      tpu.enqueue_dma source(%dma_start3A_244 : memref<64x128xf32, #tpu.memory_space<vmem>>) target(%dma_start3A_240 : memref<64x128xf32, #tpu.memory_space<hbm>>) target_semaphore(%arg9 : memref<!tpu.dma_semaphore, #tpu.memory_space<semaphore_mem>>)
    }
    %scan3A_156 = arith.constant 4 : i32
    %dma_wait3A_157 = arith.constant 0 : i32
    %dma_wait3A_158 = arith.constant 0 : i32
    %dma_wait3A_159 = arith.constant 0 : i32
    %dma_wait3A_160 = tpu.memref_slice %arg8[%dma_wait3A_157, %dma_wait3A_158, %dma_wait3A_159] : memref<4x64x128xf32, #tpu.memory_space<vmem>> -> memref<1x64x128xf32, #tpu.memory_space<vmem>>
    %dma_wait3A_161 = tpu.memref_squeeze %dma_wait3A_160 : memref<1x64x128xf32, #tpu.memory_space<vmem>> -> memref<64x128xf32, #tpu.memory_space<vmem>>
    %dma_wait3A_162 = arith.constant 0 : i32
    %dma_wait3A_163 = tpu.memref_slice %arg5[%mul3A_2, %dma_wait3A_162] : memref<8192x128xf32, #tpu.memory_space<hbm>> -> memref<64x128xf32, #tpu.memory_space<hbm>>
    %dma_wait3A_164 = arith.constant 0 : i32
    %dma_wait3A_165 = arith.constant 0 : i32
    %dma_wait3A_166 = tpu.memref_slice %arg8[%dma_wait3A_157, %dma_wait3A_164, %dma_wait3A_165] : memref<4x64x128xf32, #tpu.memory_space<vmem>> -> memref<1x64x128xf32, #tpu.memory_space<vmem>>
    %dma_wait3A_167 = tpu.memref_squeeze %dma_wait3A_166 : memref<1x64x128xf32, #tpu.memory_space<vmem>> -> memref<64x128xf32, #tpu.memory_space<vmem>>
    %dma_wait3A_168 = arith.constant 0 : i32
    %dma_wait3A_169 = tpu.memref_slice %arg5[%mul3A_2, %dma_wait3A_168] : memref<8192x128xf32, #tpu.memory_space<hbm>> -> memref<64x128xf32, #tpu.memory_space<hbm>>
    tpu.wait_dma2 semaphore(%arg9 : memref<!tpu.dma_semaphore, #tpu.memory_space<semaphore_mem>>) src(%dma_wait3A_169 : memref<64x128xf32, #tpu.memory_space<hbm>>) dst(%dma_wait3A_167 : memref<64x128xf32, #tpu.memory_space<vmem>>)
    %dma_wait3A_170 = arith.constant 0 : i32
    %dma_wait3A_171 = arith.constant 0 : i32
    %dma_wait3A_172 = arith.constant 0 : i32
    %dma_wait3A_173 = tpu.memref_slice %arg8[%dma_wait3A_170, %dma_wait3A_171, %dma_wait3A_172] : memref<4x64x128xf32, #tpu.memory_space<vmem>> -> memref<1x64x128xf32, #tpu.memory_space<vmem>>
    %dma_wait3A_174 = tpu.memref_squeeze %dma_wait3A_173 : memref<1x64x128xf32, #tpu.memory_space<vmem>> -> memref<64x128xf32, #tpu.memory_space<vmem>>
    %dma_wait3A_175 = arith.constant 0 : i32
    %dma_wait3A_176 = tpu.memref_slice %arg5[%mul3A_2, %dma_wait3A_175] : memref<8192x128xf32, #tpu.memory_space<hbm>> -> memref<64x128xf32, #tpu.memory_space<hbm>>
    %dma_wait3A_177 = arith.constant 0 : i32
    %dma_wait3A_178 = arith.constant 0 : i32
    %dma_wait3A_179 = tpu.memref_slice %arg8[%dma_wait3A_170, %dma_wait3A_177, %dma_wait3A_178] : memref<4x64x128xf32, #tpu.memory_space<vmem>> -> memref<1x64x128xf32, #tpu.memory_space<vmem>>
    %dma_wait3A_180 = tpu.memref_squeeze %dma_wait3A_179 : memref<1x64x128xf32, #tpu.memory_space<vmem>> -> memref<64x128xf32, #tpu.memory_space<vmem>>
    %dma_wait3A_181 = arith.constant 0 : i32
    %dma_wait3A_182 = tpu.memref_slice %arg5[%mul3A_2, %dma_wait3A_181] : memref<8192x128xf32, #tpu.memory_space<hbm>> -> memref<64x128xf32, #tpu.memory_space<hbm>>
    tpu.wait_dma2 semaphore(%arg9 : memref<!tpu.dma_semaphore, #tpu.memory_space<semaphore_mem>>) src(%dma_wait3A_182 : memref<64x128xf32, #tpu.memory_space<hbm>>) dst(%dma_wait3A_180 : memref<64x128xf32, #tpu.memory_space<vmem>>)
    %dma_wait3A_183 = arith.constant 0 : i32
    %dma_wait3A_184 = arith.constant 0 : i32
    %dma_wait3A_185 = arith.constant 0 : i32
    %dma_wait3A_186 = tpu.memref_slice %arg8[%dma_wait3A_183, %dma_wait3A_184, %dma_wait3A_185] : memref<4x64x128xf32, #tpu.memory_space<vmem>> -> memref<1x64x128xf32, #tpu.memory_space<vmem>>
    %dma_wait3A_187 = tpu.memref_squeeze %dma_wait3A_186 : memref<1x64x128xf32, #tpu.memory_space<vmem>> -> memref<64x128xf32, #tpu.memory_space<vmem>>
    %dma_wait3A_188 = arith.constant 0 : i32
    %dma_wait3A_189 = tpu.memref_slice %arg5[%mul3A_2, %dma_wait3A_188] : memref<8192x128xf32, #tpu.memory_space<hbm>> -> memref<64x128xf32, #tpu.memory_space<hbm>>
    %dma_wait3A_190 = arith.constant 0 : i32
    %dma_wait3A_191 = arith.constant 0 : i32
    %dma_wait3A_192 = tpu.memref_slice %arg8[%dma_wait3A_183, %dma_wait3A_190, %dma_wait3A_191] : memref<4x64x128xf32, #tpu.memory_space<vmem>> -> memref<1x64x128xf32, #tpu.memory_space<vmem>>
    %dma_wait3A_193 = tpu.memref_squeeze %dma_wait3A_192 : memref<1x64x128xf32, #tpu.memory_space<vmem>> -> memref<64x128xf32, #tpu.memory_space<vmem>>
    %dma_wait3A_194 = arith.constant 0 : i32
    %dma_wait3A_195 = tpu.memref_slice %arg5[%mul3A_2, %dma_wait3A_194] : memref<8192x128xf32, #tpu.memory_space<hbm>> -> memref<64x128xf32, #tpu.memory_space<hbm>>
    tpu.wait_dma2 semaphore(%arg9 : memref<!tpu.dma_semaphore, #tpu.memory_space<semaphore_mem>>) src(%dma_wait3A_195 : memref<64x128xf32, #tpu.memory_space<hbm>>) dst(%dma_wait3A_193 : memref<64x128xf32, #tpu.memory_space<vmem>>)
    %dma_wait3A_196 = arith.constant 0 : i32
    %dma_wait3A_197 = arith.constant 0 : i32
    %dma_wait3A_198 = arith.constant 0 : i32
    %dma_wait3A_199 = tpu.memref_slice %arg8[%dma_wait3A_196, %dma_wait3A_197, %dma_wait3A_198] : memref<4x64x128xf32, #tpu.memory_space<vmem>> -> memref<1x64x128xf32, #tpu.memory_space<vmem>>
    %dma_wait3A_200 = tpu.memref_squeeze %dma_wait3A_199 : memref<1x64x128xf32, #tpu.memory_space<vmem>> -> memref<64x128xf32, #tpu.memory_space<vmem>>
    %dma_wait3A_201 = arith.constant 0 : i32
    %dma_wait3A_202 = tpu.memref_slice %arg5[%mul3A_2, %dma_wait3A_201] : memref<8192x128xf32, #tpu.memory_space<hbm>> -> memref<64x128xf32, #tpu.memory_space<hbm>>
    %dma_wait3A_203 = arith.constant 0 : i32
    %dma_wait3A_204 = arith.constant 0 : i32
    %dma_wait3A_205 = tpu.memref_slice %arg8[%dma_wait3A_196, %dma_wait3A_203, %dma_wait3A_204] : memref<4x64x128xf32, #tpu.memory_space<vmem>> -> memref<1x64x128xf32, #tpu.memory_space<vmem>>
    %dma_wait3A_206 = tpu.memref_squeeze %dma_wait3A_205 : memref<1x64x128xf32, #tpu.memory_space<vmem>> -> memref<64x128xf32, #tpu.memory_space<vmem>>
    %dma_wait3A_207 = arith.constant 0 : i32
    %dma_wait3A_208 = tpu.memref_slice %arg5[%mul3A_2, %dma_wait3A_207] : memref<8192x128xf32, #tpu.memory_space<hbm>> -> memref<64x128xf32, #tpu.memory_space<hbm>>
    tpu.wait_dma2 semaphore(%arg9 : memref<!tpu.dma_semaphore, #tpu.memory_space<semaphore_mem>>) src(%dma_wait3A_208 : memref<64x128xf32, #tpu.memory_space<hbm>>) dst(%dma_wait3A_206 : memref<64x128xf32, #tpu.memory_space<vmem>>)
    return
  }
}

</mosaic_0001>

<sc_bundles>
// kernel: _sc_call.3.cloned.1.call-start
scs
__scs_entry_jumppad:
0x0: {  	(pc) =	sbr.rel $0x88, $3  }
0x1: {  	(tag) =	ssettag $0x0;
	lr =	simm.s32 $0x1  }
0x2: {  	[smem:$0x3F9E] =	sst lr;
	_ =	strace $0xD0000000  }
0x3: {  	_ = 	snop  }
0x4: {  	_ = 	snop  }
0x5: {  	_ = 	snop  }
0x6: {  	_ = 	snop  }
0x7: {  	_ = 	snop  }
__scs_overlays_trampoline_lowered:
0x8: {  	[smem:$0x3FAD] =	sst s0  }
0x9: {  	[smem:$0x3FAE] =	sst s1  }
0xa: {  	[smem:$0x3FAF] =	sst s2  }
0xb: {  	[smem:$0x3FB0] =	sst s3  }
0xc: {  	[smem:$0x3FB1] =	sst s4  }
0xd: {  	[smem:$0x3FB2] =	sst s5  }
0xe: {  	[smem:$0x3FB3] =	sst s6  }
0xf: {  	[smem:$0x3FB4] =	sst s7  }
0x10: {  	[smem:$0x3FB5] =	sst s8  }
0x11: {  	[smem:$0x3FB6] =	sst s9;
	s0 =	simm.s32 @!p0 $0x0  }
0x12: {  	s1 =	sld [smem:$0x3F9C];
	s0 =	simm.s32 @p0 $0x1  }
0x13: {  	[smem:$0x3FB7] =	sst s0;
	s0 =	simm.s32 @!p1 $0x0  }
0x14: {  	s2 =	sld [smem:$0x3F9B];
	s0 =	simm.s32 @p1 $0x1  }
0x15: {  	[smem:$0x3FB8] =	sst s0;
	s0 =	simm.s32 @!p2 $0x0  }
0x16: {  	s3 =	sld [smem:$0x3FDB];
	s0 =	simm.s32 @p2 $0x1  }
0x17: {  	s4 =	simm.s32 $0x1BF5;
	[smem:$0x3FBA] =	sst s0  }
0x18: {  	s0 =	sld [smem:$0x3F9D];
	_ =	swait.ge [sflag:s4], $0x0  }
0x19: {  	s7 =	sld [smem:$0x3F9E]  }
0x1a: {  	s8 =	sadd.s32 $0xFFFFE003, lr  }
0x1b: {  	s9 =	sadd.s32 $0xFFFFFEF7, lr;
	s5 =	simm.s32 $0xFFFFFFFF;
	p2 =	slt.u32 s8, $0xFFFFF086  }
0x1c: {  	p1 =	slt.u32 s9, $0xF7A;
	s5 =	simm.s32 @!p2 $0x0  }
0x1d: {  	s5 =	simm.s32 @p1 $0x1;
	p0 =	seq.s32 s7, s2  }
0x1e: {  	s7 =	smul.u32 @!p0 $0xF7A, s2;
	p2 =	seq.s32 @!p0 s5, $0x0  }
0x1f: {  	s9 =	smul.u32 $0xF7A, s1;
	s8 =	simm.s32 @!p0 $0x1BF5;
	p2 =	por !p2, p0  }
0x20: {  	[sflag:s8] =	ssyncset.s32 @!p0 $0xFFFFF086;
	s6 =	sadd.s32 @!p0 s3, s7;
	s7 =	simm.s32 @!p0 $0x108  }
0x21: {  	s3 =	sadd.s32 s3, s9;
	s6 =	sadd.s32 @!p0 $0x88, s6;
	s7 =	simm.s32 @p2 $0x1082  }
0x22: {  	[simem:s7], [sflag:s8] =	dma.local @!p0 [hbm:s6], $0xF7A  }
0x23: {  	s9 =	sor.u32 $0xD0000000, s2;
	s6 =	simm.s32 $0x108;
	_ =	swait.ge @!p0 [sflag:s8], $0x0  }
0x24: {  	s3 =	sadd.s32 $0x88, s3;
	s6 =	simm.s32 @!p1 $0x1082;
	[sflag:s4] =	ssyncset.s32 $0xFFFFF086  }
0x25: {  	[simem:s6], [sflag:s4] =	dma.local [hbm:s3], $0xF7A  }
0x26: {  	[smem:$0x3F9E] =	sst s1;
	(tag) =	ssettag s2;
	_ =	strace s9  }
0x27: {  	s1 =	sld [smem:$0x3FAE]  }
0x28: {  	s2 =	sld [smem:$0x3FAF]  }
0x29: {  	s4 =	sld [smem:$0x3FB1]  }
0x2a: {  	p0 =	seq.s32 s5, $0x0;
	s5 =	sld [smem:$0x3FB2]  }
0x2b: {  	s6 =	sld [smem:$0x3FB3]  }
0x2c: {  	s7 =	sld [smem:$0x3FB4]  }
0x2d: {  	s3 =	simm.s32 $0x108;
	s8 =	sld [smem:$0x3FB5]  }
0x2e: {  	s3 =	simm.s32 @!p0 $0x1082;
	s9 =	sld [smem:$0x3FB6]  }
0x2f: {  	lr =	sadd.s32 s0, s3;
	s0 =	sld [smem:$0x3FAD]  }
0x30: {  	s3 =	sld [smem:$0x3FB0]  }
0x31: {  	[smem:$0x3FB9] =	sst s10  }
0x32: {  	s10 =	sld [smem:$0x3FB7];
	_ =	sdelay $0x3  }
0x33: {  	p0 =	seq.s32 s10, $0x1;
	s10 =	sld [smem:$0x3FB9];
	_ =	sdelay $0x3  }
0x34: {  	[smem:$0x3FB9] =	sst s10  }
0x35: {  	s10 =	sld [smem:$0x3FB8];
	_ =	sdelay $0x3  }
0x36: {  	p1 =	seq.s32 s10, $0x1;
	s10 =	sld [smem:$0x3FB9];
	_ =	sdelay $0x3  }
0x37: {  	[smem:$0x3FB9] =	sst s10  }
0x38: {  	s10 =	sld [smem:$0x3FBA]  }
0x39: {  	_ = 	snop;
	(pc) =	sbr.ind lr, $3  }
0x3a: {  	_ = 	snop  }
0x3b: {  	_ = 	snop  }
0x3c: {  	p2 =	seq.s32 s10, $0x1;
	s10 =	sld [smem:$0x3FB9]  }
0x3d: {  	_ =	shalt  }
0x3e: {  	_ =	shalt  }
0x3f: {  	_ =	shalt  }
0x40: {  	_ =	shalt  }
0x41: {  	_ =	shalt  }
0x42: {  	_ =	shalt  }
0x43: {  	_ =	shalt  }
0x44: {  	_ =	shalt  }
0x45: {  	_ =	shalt  }
0x46: {  	_ =	shalt  }
0x47: {  	_ =	shalt  }
0x48: {  	_ =	shalt  }
0x49: {  	_ =	shalt  }
0x4a: {  	_ =	shalt  }
0x4b: {  	_ =	shalt  }
0x4c: {  	_ =	shalt  }
0x4d: {  	_ =	shalt  }
0x4e: {  	_ =	shalt  }
0x4f: {  	_ =	shalt  }
0x50: {  	_ =	shalt  }
0x51: {  	_ =	shalt  }
0x52: {  	_ =	shalt  }
0x53: {  	_ =	shalt  }
0x54: {  	_ =	shalt  }
0x55: {  	_ =	shalt  }
0x56: {  	_ =	shalt  }
0x57: {  	_ =	shalt  }
0x58: {  	_ =	shalt  }
0x59: {  	_ =	shalt  }
0x5a: {  	_ =	shalt  }
0x5b: {  	_ =	shalt  }
0x5c: {  	_ =	shalt  }
0x5d: {  	_ =	shalt  }
0x5e: {  	_ =	shalt  }
0x5f: {  	_ =	shalt  }
0x60: {  	_ =	shalt  }
0x61: {  	_ =	shalt  }
0x62: {  	_ =	shalt  }
0x63: {  	_ =	shalt  }
0x64: {  	_ =	shalt  }
0x65: {  	_ =	shalt  }
0x66: {  	_ =	shalt  }
0x67: {  	_ =	shalt  }
0x68: {  	_ =	shalt  }
0x69: {  	_ =	shalt  }
0x6a: {  	_ =	shalt  }
0x6b: {  	_ =	shalt  }
0x6c: {  	_ =	shalt  }
0x6d: {  	_ =	shalt  }
0x6e: {  	_ =	shalt  }
0x6f: {  	_ =	shalt  }
0x70: {  	_ =	shalt  }
0x71: {  	_ =	shalt  }
0x72: {  	_ =	shalt  }
0x73: {  	_ =	shalt  }
0x74: {  	_ =	shalt  }
0x75: {  	_ =	shalt  }
0x76: {  	_ =	shalt  }
0x77: {  	_ =	shalt  }
0x78: {  	_ =	shalt  }
0x79: {  	_ =	shalt  }
0x7a: {  	_ =	shalt  }
0x7b: {  	_ =	shalt  }
0x7c: {  	_ =	shalt  }
0x7d: {  	_ =	shalt  }
0x7e: {  	_ =	shalt  }
0x7f: {  	_ =	shalt  }
0x80: {  	_ =	shalt  }
0x81: {  	_ =	shalt  }
0x82: {  	_ =	shalt  }
0x83: {  	_ =	shalt  }
0x84: {  	_ =	shalt  }
0x85: {  	_ =	shalt  }
0x86: {  	_ =	shalt  }
0x87: {  	_ =	shalt  }
.Lfunc_end0:
.L_simem_size_0:
called_computation_lowered:
.L_overlay_start_0:
0x88: {  	s2 =	sld [smem:$0x3FD9]  }
0x89: {  	s3 =	sld [smem:$0x3FFE];
	_ =	sdelay $0x1  }
0x8a: {  	s1 =	srdreg.scid  }
0x8b: {  	s0 =	sand.u32 $0x1, s1  }
0x8c: {  	s18 =	sshll.u32 s0, $0xA;
	s2 =	sadd.s32 s3, s2  }
0x8d: {  	s2 =	sadd.s32 s2, s18  }
0x8e: {  	[smem:$0x3FC5] =	sst s2  }
0x8f: {  	_ = 	snop  }
0x90: {  	s2 =	sld [smem:$0x3FC9]  }
0x91: {  	s19 =	sld [smem:$0x3FC8]  }
0x92: {  	s4 =	sld [smem:$0x3FC7]  }
0x93: {  	s5 =	sld [smem:$0x3FD0];
	(tm) =	ssettm $0x1  }
0x94: {  	s6 =	sld [smem:$0x3FFB];
	_ =	sdelay $0x3  }
0x95: {  	_ =	strace s6  }
0x96: {  	s6 =	sld [smem:$0x3FFC];
	_ =	sdelay $0x3  }
0x97: {  	_ =	strace s6  }
0x98: {  	s6 =	sld [smem:$0x3FFD];
	_ =	sdelay $0x3  }
0x99: {  	_ =	strace s6  }
0x9a: {  	_ =	strace $0x8FFFFFFF  }
0x9b: {  	s20 =	sld [smem:$0x3FDB];
	_ =	sdelay $0x1  }
0x9c: {  	s7 =	simm.s32 $_scs_section_size  }
0x9d: {  	s8 =	simm.s32 $_size__tile_overlayer_lowered;
	s9 =	simm.s32 $_tile_overlayer_lowered  }
0x9e: {  	s23 =	simm.s32 $0x1BFF;
	s22 =	sshll.u32 s9, $0x1;
	s6 =	sadd.s32 s7, s20  }
0x9f: {  	s10 =	simm.s32 $0x0;
	s21 =	sshll.u32 s8, $0x1;
	s8 =	sadd.s32 s22, s6  }
0xa0: {  	[timem:s10], [sflag:s23] =	dma.local [hbm:s8], s21  }
0xa1: {  	_ =	swait.ge [sflag:s23], s21  }
0xa2: {  	s7 =	ssub.s32 $0x0, s21;
	[sflag:s23] =	ssyncset.done $0x0  }
0xa3: {  	[sflag:s23] =	ssyncadd.s32 s7;
	_ =	sdelay $0x1  }
0xa4: {  	s24 =	simm.s32 $0x1B8B  }
0xa5: {  	_ =	swait.ge [sflag:s24], $0x1  }
0xa6: {  	[sflag:s24] =	ssyncset.done $0x0  }
0xa7: {  	s25 =	simm.s32 $0x1B8E;
	[sflag:s24] =	ssyncadd.s32 $0xFFFFFFFF  }
0xa8: {  	s26 =	simm.s32 $execute0_lowered;
	[smem:$0x3FD2] =	sst s25  }
0xa9: {  	s7 =	sshll.u32 s26, $0x1;
	_ =	strace $0x80000046;
	[dreg:$0x1] =	wrdreg $0xFFFFFFFF  }
0xaa: {  	s28 =	simm.s32 $_size_execute0_lowered;
	s6 =	sadd.s32 s6, s7;
	[dreg:$0x0] =	wrdreg $0x0  }
0xab: {  	s7 =	sshll.u32 s28, $0x1;
	[dreg:$0x2] =	wrdreg s6  }
0xac: {  	[dreg:$0x3] =	wrdreg s7  }
0xad: {  	[dreg:$0x4] =	wrdreg $0xC0  }
0xae: {  	_ =	task [dreg:s10], $0x5FFFF  }
0xaf: {  	[dreg:$0x1] =	wrdreg $0xFFFFFFFF  }
0xb0: {  	[dreg:$0x0] =	wrdreg $0x60  }
0xb1: {  	[dreg:$0x2] =	wrdreg s2  }
0xb2: {  	[dreg:$0x3] =	wrdreg s19  }
0xb3: {  	[dreg:$0x4] =	wrdreg s4  }
0xb4: {  	[dreg:$0x5] =	wrdreg s5  }
0xb5: {  	[dreg:$0x6] =	wrdreg $0x9  }
0xb6: {  	_ =	task.clear_ibuf [dreg:s10], $0x7FFFF;
	_ =	strace $0x90000046  }
0xb7: {  	s29 =	simm.s32 $0x9;
	_ =	strace $0x80000048  }
0xb8: {  	_ =	swait.ge [sflag:s29], $0x1  }
0xb9: {  	[sflag:s29] =	ssyncadd.s32 $0xFFFFFFFF  }
0xba: {  	_ =	strace $0x90000048  }
0xbb: {  	_ =	sfence  }
0xbc: {  	s30 =	sld [smem:$0x0];
	_ =	sdelay $0x2  }
0xbd: {  	s31 =	sshll.u32 s1, $0xD;
	s1 =	sshrl.u32 s1, $0x2  }
0xbe: {  	s3 =	sand.u32 $0x4000, s31;
	s1 =	sadd.s32 s1, s30  }
0xbf: {  	s0 =	sor.u32 s3, s0;
	s1 =	sshll.u32 s1, $0x11  }
0xc0: {  	s0 =	sor.u32 s1, s0  }
0xc1: {  	s0 =	sadd.s32 $0x8F2B, s0  }
0xc2: {  	[sflag:s0] =	ssyncadd.remote.s32 $0x1  }
0xc3: {  	_ =	sfence.sel $0xFFFF  }
0xc4: {  	[dreg:$0x0] =	wrdreg $0xFFFFFFFF;
	(pc) =	sbr.abs _section_cstart, $3  }
0xc5: {  	[dreg:$0x1] =	wrdreg $0xFFFFFFFF  }
0xc6: {  	_ =	task.clear_ibuf [dreg:s10], $0x2FFFF;
	_ =	strace $0x9FFFFFFF  }
0xc7: {  	(tm) =	ssettm $0x7FFFFFFF  }
tec
execute0_lowered:
.L_overlay_start_1:
0x0: {  	(tag) =	ssettag $0x1  }
0x1: {  	s1 =	srdreg.scid;
	s7 =	rddreg [dreg:$0x0]  }
0x2: {  	s0 =	stileid.u32;
	s9 =	rddreg [dreg:$0x2]  }
0x3: {  	s8 =	rddreg [dreg:$0x3];
	s3 =	simm.s32 $0x0;
	s14 =	simm.s32 $0x80  }
0x4: {  	s15 =	simm.s32 $0x100;
	s16 =	simm.s32 $0x180;
	s17 =	simm.s32 $0x200  }
0x5: {  	s18 =	simm.s32 $0x1;
	s19 =	simm.s32 $0x40;
	s20 =	simm.s32 $0x2200  }
0x6: {  	s21 =	simm.s32 $0x4200;
	s22 =	simm.s32 $0x6200;
	s23 =	simm.s32 $0x8200  }
0x7: {  	s24 =	simm.s32 $0x2;
	s25 =	simm.s32 $0x3;
	s26 =	simm.s32 $0x0  }
0x8: {  	s4 =	sand.u32 $0x1, s1;
	s1 =	rddreg [dreg:$0x1];
	s2 =	sshll.u32 s0, $0x7  }
0x9: {  	[smem:$0x7FF] =	sst s3;
	s5 =	sshll.u32 s4, $0x6;
	s12 =	ssub.s32 $0x2, s4  }
0xa: {  	s6 =	sor.u32 s5, s2;
	s2 =	rddreg [dreg:$0x4];
	_ =	strace $0x80000047  }
0xb: {  	s30 =	sshrl.u32 s12, $0x1;
	s10 =	sshll.u32 s6, $0x2;
	s13 =	sshll.u32 s6, $0x4  }
0xc: {  	s11 =	sand.u32 $0x1E00, s10;
	s10 =	sor.u32 s5, s10;
	s8 =	sadd.s32 s8, s13  }
0xd: {  	s9 =	sadd.s32 s9, s13;
	s11 =	sor.u32 s5, s11;
	s10 =	sshrl.u32 s10, $0x3  }
0xe: {  	s13 =	sadd.s32 $0x10000, s8;
	s29 =	sshrl.u32 s11, $0x3;
	s11 =	ssub.s32 s12, s30  }
0xf: {  	s31 =	sor.u32 $0x20, s10;
	s10 =	sor.u32 $0x30, s10;
	s12 =	sadd.s32 $0x8000, s8  }
0x10: {  	s4 =	sadd.s32 s7, s29;
	s6 =	sadd.s32 s7, s31;
	s7 =	sadd.s32 s7, s10  }
0x11: {  	s10 =	sadd.s32 $0x18000, s8;
	s11 =	smax.u32 s11, $0x1;
	s5 =	sadd.s32 $0x10, s4  }
.LBB2_1:
0x12: {  	[tilespmem:s3], [sflag:$0x1] =	stream.linear.gather [hbm4b:s4+s3], $0x40, $0x38;
	[tilespmem:$0xA200] =	vst v63  }
0x13: {  	_ = 	snop  }
0x14: {  	[tilespmem:s14], [sflag:$0x1] =	stream.linear.gather [hbm4b:s5+s3], $0x40, $0x38;
	[tilespmem:$0xA200] =	vst v63  }
0x15: {  	_ = 	snop  }
0x16: {  	[tilespmem:s15], [sflag:$0x1] =	stream.linear.gather [hbm4b:s6+s3], $0x40, $0x38;
	[tilespmem:$0xA200] =	vst v63  }
0x17: {  	_ = 	snop  }
0x18: {  	[tilespmem:s16], [sflag:$0x1] =	stream.linear.gather [hbm4b:s7+s3], $0x40, $0x38;
	[tilespmem:$0xA200] =	vst v63  }
0x19: {  	_ = 	snop  }
0x1a: {  	[tilespmem:s17], [sflag:$0x2] =	stream.linear.gather [hbm4b:s9+s3], $0x2000, $0x38;
	[tilespmem:$0xA200] =	vst v63  }
0x1b: {  	_ =	swait.ge [sflag:s18], $0x40  }
0x1c: {  	[sflag:s18] =	ssyncset.done $0x0  }
0x1d: {  	[sflag:s18] =	ssyncadd.s32 $0xFFFFFFC0  }
0x1e: {  	_ =	swait.ge [sflag:s18], $0x40  }
0x1f: {  	[sflag:s18] =	ssyncset.done $0x0  }
0x20: {  	[sflag:s18] =	ssyncadd.s32 $0xFFFFFFC0  }
0x21: {  	_ =	swait.ge [sflag:s18], $0x40  }
0x22: {  	[sflag:s18] =	ssyncset.done $0x0  }
0x23: {  	[sflag:s18] =	ssyncadd.s32 $0xFFFFFFC0  }
0x24: {  	_ =	swait.ge [sflag:s18], $0x40  }
0x25: {  	[sflag:s18] =	ssyncset.done $0x0  }
0x26: {  	[sflag:s18] =	ssyncadd.s32 $0xFFFFFFC0  }
0x27: {  	[tilespmem:s20], [sflag:$0x3] =	stream.indirect.gather [hbm4b:s1+s19], $0x80, s3, s19, $0xb8;
	[tilespmem:$0xA200] =	vst v63  }
0x28: {  	_ = 	snop  }
0x29: {  	[tilespmem:s21], [sflag:$0x3] =	stream.indirect.gather [hbm4b:s1+s19], $0x80, s14, s19, $0xb8;
	[tilespmem:$0xA200] =	vst v63  }
0x2a: {  	_ = 	snop  }
0x2b: {  	[tilespmem:s22], [sflag:$0x3] =	stream.indirect.gather [hbm4b:s1+s19], $0x80, s15, s19, $0xb8;
	[tilespmem:$0xA200] =	vst v63  }
0x2c: {  	_ = 	snop  }
0x2d: {  	[tilespmem:s23], [sflag:$0x3] =	stream.indirect.gather [hbm4b:s1+s19], $0x80, s16, s19, $0xb8;
	[tilespmem:$0xA200] =	vst v63  }
0x2e: {  	_ =	swait.ge [sflag:s24], $0x2000  }
0x2f: {  	[sflag:s24] =	ssyncset.done $0x0  }
0x30: {  	[sflag:s24] =	ssyncadd.s32 $0xFFFFE000  }
0x31: {  	_ =	swait.ge [sflag:s25], $0x2000  }
0x32: {  	[sflag:s25] =	ssyncset.done $0x0  }
0x33: {  	s28 =	simm.s32 $0x0;
	s29 =	simm.s32 $0x200;
	[sflag:s25] =	ssyncadd.s32 $0xFFFFE000  }
.LBB2_2:
0x34: {  	p0 =	sne.s32 s29, $0x7E00;
	v0 =	vld [tilespmem:s28+$0x270]  }
0x35: {  	v1 =	vld [tilespmem:s28+$0x200]  }
0x36: {  	v2 =	vld [tilespmem:s28+$0x210]  }
0x37: {  	v3 =	vld [tilespmem:s28+$0x220]  }
0x38: {  	v4 =	vld [tilespmem:s28+$0x230]  }
0x39: {  	[tilespmem:s28+$0x2270] =	vst.add.f32.msk $0xffff, v0  }
0x3a: {  	v0 =	vld [tilespmem:s28+$0x240]  }
0x3b: {  	v5 =	vld [tilespmem:s28+$0x250]  }
0x3c: {  	v6 =	vld [tilespmem:s28+$0x260]  }
0x3d: {  	[tilespmem:s28+$0x2200] =	vst.add.f32.msk $0xffff, v1  }
0x3e: {  	[tilespmem:s28+$0x2210] =	vst.add.f32.msk $0xffff, v2  }
.Ltmp0:
0x3f: {  	[tilespmem:s28+$0x2220] =	vst.add.f32.msk $0xffff, v3;
	(pc) =	sbr.rel @p0 .LBB2_2-.Ltmp0, $4  }
0x40: {  	[tilespmem:s28+$0x2230] =	vst.add.f32.msk $0xffff, v4  }
0x41: {  	[tilespmem:s28+$0x2240] =	vst.add.f32.msk $0xffff, v0  }
0x42: {  	[tilespmem:s28+$0x2250] =	vst.add.f32.msk $0xffff, v5  }
0x43: {  	[tilespmem:s28+$0x2260] =	vst.add.f32.msk $0xffff, v6;
	s28 =	sshra.s32 s29, $0x2;
	s29 =	sadd.s32 $0x200, s29  }
0x44: {  	v0 =	vld [tilespmem:s28+$0x270]  }
0x45: {  	v1 =	vld [tilespmem:s28+$0x200]  }
0x46: {  	v2 =	vld [tilespmem:s28+$0x210]  }
0x47: {  	v3 =	vld [tilespmem:s28+$0x220]  }
0x48: {  	v4 =	vld [tilespmem:s28+$0x230]  }
0x49: {  	v63 =	vld [tilespmem:s28+$0x240]  }
0x4a: {  	v5 =	vld [tilespmem:s28+$0x250]  }
0x4b: {  	v6 =	vld [tilespmem:s28+$0x260]  }
0x4c: {  	[tilespmem:s28+$0x2270] =	vst.add.f32.msk $0xffff, v0  }
0x4d: {  	[tilespmem:s28+$0x2200] =	vst.add.f32.msk $0xffff, v1  }
0x4e: {  	[tilespmem:s28+$0x2210] =	vst.add.f32.msk $0xffff, v2  }
0x4f: {  	[tilespmem:s28+$0x2220] =	vst.add.f32.msk $0xffff, v3  }
0x50: {  	[tilespmem:s28+$0x2230] =	vst.add.f32.msk $0xffff, v4  }
0x51: {  	[tilespmem:s28+$0x2240] =	vst.add.f32.msk $0xffff, v63  }
0x52: {  	[tilespmem:s28+$0x2250] =	vst.add.f32.msk $0xffff, v5  }
0x53: {  	[tilespmem:s28+$0x2260] =	vst.add.f32.msk $0xffff, v6;
	s28 =	simm.s32 $0x0  }
0x54: {  	[hbm4b:s8+s28] =	stream.linear.scatter [tilespmem:s20], [sflag:$0x1], $0x2000, $0x38;
	[tilespmem:$0xA200] =	vst v63  }
0x55: {  	_ =	swait.ge [sflag:s25], $0x2000  }
0x56: {  	[sflag:s25] =	ssyncset.done $0x0  }
0x57: {  	s29 =	simm.s32 $0x200;
	s28 =	simm.s32 $0x0;
	[sflag:s25] =	ssyncadd.s32 $0xFFFFE000  }
.LBB2_4:
0x58: {  	p0 =	sne.s32 s29, $0x7E00;
	v0 =	vld [tilespmem:s28+$0x270]  }
0x59: {  	v1 =	vld [tilespmem:s28+$0x200]  }
0x5a: {  	v2 =	vld [tilespmem:s28+$0x210]  }
0x5b: {  	v3 =	vld [tilespmem:s28+$0x220]  }
0x5c: {  	v4 =	vld [tilespmem:s28+$0x230]  }
0x5d: {  	[tilespmem:s28+$0x4270] =	vst.add.f32.msk $0xffff, v0  }
0x5e: {  	v0 =	vld [tilespmem:s28+$0x240]  }
0x5f: {  	v5 =	vld [tilespmem:s28+$0x250]  }
0x60: {  	v6 =	vld [tilespmem:s28+$0x260]  }
0x61: {  	[tilespmem:s28+$0x4200] =	vst.add.f32.msk $0xffff, v1  }
0x62: {  	[tilespmem:s28+$0x4210] =	vst.add.f32.msk $0xffff, v2  }
.Ltmp1:
0x63: {  	[tilespmem:s28+$0x4220] =	vst.add.f32.msk $0xffff, v3;
	(pc) =	sbr.rel @p0 .LBB2_4-.Ltmp1, $4  }
0x64: {  	[tilespmem:s28+$0x4230] =	vst.add.f32.msk $0xffff, v4  }
0x65: {  	[tilespmem:s28+$0x4240] =	vst.add.f32.msk $0xffff, v0  }
0x66: {  	[tilespmem:s28+$0x4250] =	vst.add.f32.msk $0xffff, v5  }
0x67: {  	[tilespmem:s28+$0x4260] =	vst.add.f32.msk $0xffff, v6;
	s28 =	sshra.s32 s29, $0x2;
	s29 =	sadd.s32 $0x200, s29  }
0x68: {  	v0 =	vld [tilespmem:s28+$0x270]  }
0x69: {  	v1 =	vld [tilespmem:s28+$0x200]  }
0x6a: {  	v2 =	vld [tilespmem:s28+$0x210]  }
0x6b: {  	v3 =	vld [tilespmem:s28+$0x220]  }
0x6c: {  	v4 =	vld [tilespmem:s28+$0x230]  }
0x6d: {  	v63 =	vld [tilespmem:s28+$0x240]  }
0x6e: {  	v5 =	vld [tilespmem:s28+$0x250]  }
0x6f: {  	v6 =	vld [tilespmem:s28+$0x260]  }
0x70: {  	[tilespmem:s28+$0x4270] =	vst.add.f32.msk $0xffff, v0  }
0x71: {  	[tilespmem:s28+$0x4200] =	vst.add.f32.msk $0xffff, v1  }
0x72: {  	[tilespmem:s28+$0x4210] =	vst.add.f32.msk $0xffff, v2  }
0x73: {  	[tilespmem:s28+$0x4220] =	vst.add.f32.msk $0xffff, v3  }
0x74: {  	[tilespmem:s28+$0x4230] =	vst.add.f32.msk $0xffff, v4  }
0x75: {  	[tilespmem:s28+$0x4240] =	vst.add.f32.msk $0xffff, v63  }
0x76: {  	[tilespmem:s28+$0x4250] =	vst.add.f32.msk $0xffff, v5  }
0x77: {  	[tilespmem:s28+$0x4260] =	vst.add.f32.msk $0xffff, v6;
	s28 =	simm.s32 $0x0  }
0x78: {  	[hbm4b:s12+s28] =	stream.linear.scatter [tilespmem:s21], [sflag:$0x1], $0x2000, $0x38;
	[tilespmem:$0xA200] =	vst v63  }
0x79: {  	_ =	swait.ge [sflag:s25], $0x2000  }
0x7a: {  	[sflag:s25] =	ssyncset.done $0x0  }
0x7b: {  	s29 =	simm.s32 $0x200;
	s28 =	simm.s32 $0x0;
	[sflag:s25] =	ssyncadd.s32 $0xFFFFE000  }
.LBB2_6:
0x7c: {  	p0 =	sne.s32 s29, $0x7E00;
	v0 =	vld [tilespmem:s28+$0x270]  }
0x7d: {  	v1 =	vld [tilespmem:s28+$0x200]  }
0x7e: {  	v2 =	vld [tilespmem:s28+$0x210]  }
0x7f: {  	v3 =	vld [tilespmem:s28+$0x220]  }
0x80: {  	v4 =	vld [tilespmem:s28+$0x230]  }
0x81: {  	[tilespmem:s28+$0x6270] =	vst.add.f32.msk $0xffff, v0  }
0x82: {  	v0 =	vld [tilespmem:s28+$0x240]  }
0x83: {  	v5 =	vld [tilespmem:s28+$0x250]  }
0x84: {  	v6 =	vld [tilespmem:s28+$0x260]  }
0x85: {  	[tilespmem:s28+$0x6200] =	vst.add.f32.msk $0xffff, v1  }
0x86: {  	[tilespmem:s28+$0x6210] =	vst.add.f32.msk $0xffff, v2  }
.Ltmp2:
0x87: {  	[tilespmem:s28+$0x6220] =	vst.add.f32.msk $0xffff, v3;
	(pc) =	sbr.rel @p0 .LBB2_6-.Ltmp2, $4  }
0x88: {  	[tilespmem:s28+$0x6230] =	vst.add.f32.msk $0xffff, v4  }
0x89: {  	[tilespmem:s28+$0x6240] =	vst.add.f32.msk $0xffff, v0  }
0x8a: {  	[tilespmem:s28+$0x6250] =	vst.add.f32.msk $0xffff, v5  }
0x8b: {  	[tilespmem:s28+$0x6260] =	vst.add.f32.msk $0xffff, v6;
	s28 =	sshra.s32 s29, $0x2;
	s29 =	sadd.s32 $0x200, s29  }
0x8c: {  	v0 =	vld [tilespmem:s28+$0x270]  }
0x8d: {  	v1 =	vld [tilespmem:s28+$0x200]  }
0x8e: {  	v2 =	vld [tilespmem:s28+$0x210]  }
0x8f: {  	v3 =	vld [tilespmem:s28+$0x220]  }
0x90: {  	v4 =	vld [tilespmem:s28+$0x230]  }
0x91: {  	v63 =	vld [tilespmem:s28+$0x240]  }
0x92: {  	v5 =	vld [tilespmem:s28+$0x250]  }
0x93: {  	v6 =	vld [tilespmem:s28+$0x260]  }
0x94: {  	[tilespmem:s28+$0x6270] =	vst.add.f32.msk $0xffff, v0  }
0x95: {  	[tilespmem:s28+$0x6200] =	vst.add.f32.msk $0xffff, v1  }
0x96: {  	[tilespmem:s28+$0x6210] =	vst.add.f32.msk $0xffff, v2  }
0x97: {  	[tilespmem:s28+$0x6220] =	vst.add.f32.msk $0xffff, v3  }
0x98: {  	[tilespmem:s28+$0x6230] =	vst.add.f32.msk $0xffff, v4  }
0x99: {  	[tilespmem:s28+$0x6240] =	vst.add.f32.msk $0xffff, v63  }
0x9a: {  	[tilespmem:s28+$0x6250] =	vst.add.f32.msk $0xffff, v5  }
0x9b: {  	[tilespmem:s28+$0x6260] =	vst.add.f32.msk $0xffff, v6;
	s28 =	simm.s32 $0x0  }
0x9c: {  	[hbm4b:s13+s28] =	stream.linear.scatter [tilespmem:s22], [sflag:$0x1], $0x2000, $0x38;
	[tilespmem:$0xA200] =	vst v63  }
0x9d: {  	_ =	swait.ge [sflag:s25], $0x2000  }
0x9e: {  	[sflag:s25] =	ssyncset.done $0x0  }
0x9f: {  	s29 =	simm.s32 $0x200;
	s28 =	simm.s32 $0x0;
	[sflag:s25] =	ssyncadd.s32 $0xFFFFE000  }
.LBB2_8:
0xa0: {  	p0 =	sne.s32 s29, $0x7E00;
	v0 =	vld [tilespmem:s28+$0x270]  }
0xa1: {  	v1 =	vld [tilespmem:s28+$0x200]  }
0xa2: {  	v2 =	vld [tilespmem:s28+$0x210]  }
0xa3: {  	v3 =	vld [tilespmem:s28+$0x220]  }
0xa4: {  	v4 =	vld [tilespmem:s28+$0x230]  }
0xa5: {  	[tilespmem:s28+$0x8270] =	vst.add.f32.msk $0xffff, v0  }
0xa6: {  	v0 =	vld [tilespmem:s28+$0x240]  }
0xa7: {  	v5 =	vld [tilespmem:s28+$0x250]  }
0xa8: {  	v6 =	vld [tilespmem:s28+$0x260]  }
0xa9: {  	[tilespmem:s28+$0x8200] =	vst.add.f32.msk $0xffff, v1  }
0xaa: {  	[tilespmem:s28+$0x8210] =	vst.add.f32.msk $0xffff, v2  }
.Ltmp3:
0xab: {  	[tilespmem:s28+$0x8220] =	vst.add.f32.msk $0xffff, v3;
	(pc) =	sbr.rel @p0 .LBB2_8-.Ltmp3, $4  }
0xac: {  	[tilespmem:s28+$0x8230] =	vst.add.f32.msk $0xffff, v4  }
0xad: {  	[tilespmem:s28+$0x8240] =	vst.add.f32.msk $0xffff, v0  }
0xae: {  	[tilespmem:s28+$0x8250] =	vst.add.f32.msk $0xffff, v5  }
0xaf: {  	[tilespmem:s28+$0x8260] =	vst.add.f32.msk $0xffff, v6;
	s28 =	sshra.s32 s29, $0x2;
	s29 =	sadd.s32 $0x200, s29  }
0xb0: {  	v0 =	vld [tilespmem:s28+$0x270]  }
0xb1: {  	v1 =	vld [tilespmem:s28+$0x200]  }
0xb2: {  	v2 =	vld [tilespmem:s28+$0x210]  }
0xb3: {  	v3 =	vld [tilespmem:s28+$0x220]  }
0xb4: {  	v4 =	vld [tilespmem:s28+$0x230]  }
0xb5: {  	v63 =	vld [tilespmem:s28+$0x240]  }
0xb6: {  	v5 =	vld [tilespmem:s28+$0x250]  }
0xb7: {  	v6 =	vld [tilespmem:s28+$0x260]  }
0xb8: {  	[tilespmem:s28+$0x8270] =	vst.add.f32.msk $0xffff, v0  }
0xb9: {  	[tilespmem:s28+$0x8200] =	vst.add.f32.msk $0xffff, v1  }
0xba: {  	[tilespmem:s28+$0x8210] =	vst.add.f32.msk $0xffff, v2  }
0xbb: {  	[tilespmem:s28+$0x8220] =	vst.add.f32.msk $0xffff, v3  }
0xbc: {  	[tilespmem:s28+$0x8230] =	vst.add.f32.msk $0xffff, v4  }
0xbd: {  	[tilespmem:s28+$0x8240] =	vst.add.f32.msk $0xffff, v63  }
0xbe: {  	[tilespmem:s28+$0x8250] =	vst.add.f32.msk $0xffff, v5  }
0xbf: {  	[tilespmem:s28+$0x8260] =	vst.add.f32.msk $0xffff, v6  }
0xc0: {  	[hbm4b:s10+s3] =	stream.linear.scatter [tilespmem:s23], [sflag:$0x1], $0x2000, $0x38;
	[tilespmem:$0xA200] =	vst v63  }
0xc1: {  	_ =	swait.ge [sflag:s18], $0x2000  }
0xc2: {  	[sflag:s18] =	ssyncset.done $0x0  }
0xc3: {  	[sflag:s18] =	ssyncadd.s32 $0xFFFFE000  }
0xc4: {  	_ =	swait.ge [sflag:s18], $0x2000  }
0xc5: {  	[sflag:s18] =	ssyncset.done $0x0  }
0xc6: {  	s26 =	sadd.s32 $0x1, s26;
	[sflag:s18] =	ssyncadd.s32 $0xFFFFE000  }
0xc7: {  	p0 =	sne.s32 s26, s11;
	_ =	swait.ge [sflag:s18], $0x2000  }
.Ltmp4:
0xc8: {  	[sflag:s18] =	ssyncset.done $0x0;
	(pc) =	sbr.rel @p0 .LBB2_1-.Ltmp4, $4  }
0xc9: {  	[sflag:s18] =	ssyncadd.s32 $0xFFFFE000  }
0xca: {  	_ =	swait.ge [sflag:s18], $0x2000  }
0xcb: {  	[sflag:s18] =	ssyncset.done $0x0  }
0xcc: {  	[sflag:s18] =	ssyncadd.s32 $0xFFFFE000  }
0xcd: {  	_ =	sfence.sel $0x180000  }
0xce: {  	[bflag:$0x0] =	sbarrier.arrive $0xFFFF  }
0xcf: {  	p0 =	sne.s32 s0, $0x0;
	_ =	strace $0x90000047  }
0xd0: {  	s0 =	sadd.s32 @!p0 $0x100000, s2;
	[bflag:$0x2] =	sbarrier.arrive $0xFFFF  }
0xd1: {  	[sflag:s0] =	ssyncadd.tile.s32 @!p0 $0x1;
	_ =	shalt  }
.Lfunc_end2:
_tile_overlayer_lowered:
.L_overlay_start_2:
0xd2: {  	(tag) =	ssettag $0x2  }
0xd3: {  	s0 =	rddreg [dreg:$0x0];
	s2 =	stileid.u32  }
0xd4: {  	s1 =	rddreg [dreg:$0x1];
	p0 =	sne.s32 s2, $0x0  }
0xd5: {  	s3 =	rddreg [dreg:$0x2];
	[bflag:$0x3] =	sbarrier.arrive $0xFFFF;
	s2 =	simm.s32 @!p0 $0x1C04  }
0xd6: {  	[timem:s3], [sflag:s2] =	dma.local @!p0 [hbm:s0], s1  }
0xd7: {  	s0 =	simm.s32 @!p0 $0x4  }
0xd8: {  	_ =	swait.ge @!p0 [sflag:s0], s1  }
0xd9: {  	s1 =	ssub.s32 @!p0 $0x0, s1;
	[sflag:s0] =	ssyncset.done @!p0 $0x0  }
0xda: {  	[sflag:s0] =	ssyncadd.s32 @!p0 s1  }
0xdb: {  	[bflag:$0x3] =	sbarrier.arrive $0xFFFF  }
0xdc: {  	_ =	shalt  }

</sc_bundles>
